<compile_context>
chip_gen: v7x
topology: tpu7x:2x2x1
jax: 0.10.2.dev20260603
libtpu: 0.0.44.dev20260713+nightly
codegen_flags: <defaults>
</compile_context>

<pallas_src>
import functools

import jax
import jax.numpy as jnp
from jax import lax
from jax.experimental import pallas as pl
from jax.experimental.pallas import tpu as pltpu
from jax.experimental.pallas import tpu_sc as plsc

_NUM_CORES = 2
_NUM_SUBCORES = 16
_NUM_WORKERS = _NUM_CORES * _NUM_SUBCORES
_CHUNK = 128


@functools.lru_cache(maxsize=None)
def _make_sc_gather(E, N, H, lo=0):
    n_chunks = E // _CHUNK
    iters = -(-n_chunks // _NUM_WORKERS)
    mesh = plsc.VectorSubcoreMesh(core_axis_name="c", subcore_axis_name="s")
    f32 = jnp.float32

    @functools.partial(
        pl.kernel,
        mesh=mesh,
        out_type=[
            jax.ShapeDtypeStruct((E, H), f32),
            jax.ShapeDtypeStruct((E, H), f32),
            jax.ShapeDtypeStruct((E,), f32),
            jax.ShapeDtypeStruct((E,), f32),
        ],
        scratch_types=[
            pltpu.VMEM((_CHUNK,), jnp.int32),
            pltpu.VMEM((_CHUNK,), jnp.int32),
            pltpu.VMEM((_CHUNK, H), f32),
            pltpu.VMEM((_CHUNK, H), f32),
            pltpu.VMEM((_CHUNK,), f32),
            pltpu.VMEM((_CHUNK,), f32),
            pltpu.VMEM((N,), f32),
            pltpu.SemaphoreType.DMA,
        ],
        compiler_params=pltpu.CompilerParams(needs_layout_passes=False),
    )
    def sc_gather(mem_hbm, lu_hbm, sidx_hbm, didx_hbm,
                  srows_hbm, drows_hbm, slu_hbm, dlu_hbm,
                  sidx_v, didx_v, srow_v, drow_v, slu_v, dlu_v, lu_v, sem):
        wid = lax.axis_index("s") * _NUM_CORES + lax.axis_index("c")
        pltpu.sync_copy(lu_hbm, lu_v)

        def body(i, _):
            chunk = wid + _NUM_WORKERS * i

            @pl.when(chunk < n_chunks)
            def _():
                base = chunk * _CHUNK
                pltpu.sync_copy(sidx_hbm.at[pl.ds(lo + base, _CHUNK)], sidx_v)
                pltpu.sync_copy(didx_hbm.at[pl.ds(lo + base, _CHUNK)], didx_v)
                cps = [
                    pltpu.async_copy(mem_hbm.at[sidx_v], srow_v, sem),
                    pltpu.async_copy(mem_hbm.at[didx_v], drow_v, sem),
                ]
                for j in range(_CHUNK // 16):
                    sl = pl.ds(j * 16, 16)
                    slu_v[sl] = plsc.load_gather(lu_v, [sidx_v[sl]])
                    dlu_v[sl] = plsc.load_gather(lu_v, [didx_v[sl]])
                for cp in cps:
                    cp.wait()
                pltpu.sync_copy(srow_v, srows_hbm.at[pl.ds(base, _CHUNK)])
                pltpu.sync_copy(drow_v, drows_hbm.at[pl.ds(base, _CHUNK)])
                pltpu.sync_copy(slu_v, slu_hbm.at[pl.ds(base, _CHUNK)])
                pltpu.sync_copy(dlu_v, dlu_hbm.at[pl.ds(base, _CHUNK)])

            return None

        lax.fori_loop(0, iters, body, None)

    return sc_gather


def _fast_cos(x):
    inv2pi = jnp.float32(0.15915493667125702)
    magic = jnp.float32(12582912.0)
    c1 = jnp.float32(6.28125)
    c2 = jnp.float32(0.0019353071795864769)
    k = (x * inv2pi + magic) - magic
    r = (x - k * c1) - k * c2
    u = r * r
    p = jnp.float32(1.736913401585966e-09)
    for c in (-2.711337329987122e-07, 2.47734242079983e-05,
              -0.0013887970411328634, 0.041666524363789405,
              -0.4999999177196379, 0.9999999922771011):
        p = p * u + jnp.float32(c)
    return p


def _assemble_body(type_ref, smask_ref, dmask_ref, ts_ref, slu_ref, dlu_ref,
                   srows_ref, drows_ref, evt_ref, w_ref, b_ref,
                   out_src_ref, out_dst_ref):
    H = evt_ref.shape[1]
    B = evt_ref.shape[0]
    type_col = type_ref[...].astype(jnp.float32)
    sm = smask_ref[...]
    dm = dmask_ref[...]
    t = ts_ref[...]
    w = w_ref[...]
    b = b_ref[...]
    src_embs = srows_ref[...] * sm
    dst_embs = drows_ref[...] * dm
    evt = evt_ref[...]
    src_te = _fast_cos((t - slu_ref[...] * dm) * w + b)
    dst_te = _fast_cos((t - dlu_ref[...] * dm) * w + b)
    type_b = jnp.broadcast_to(type_col, (B, H))

    out_src_ref[:, 0:H] = type_b
    out_src_ref[:, H:2 * H] = src_embs
    out_src_ref[:, 2 * H:3 * H] = dst_embs
    out_src_ref[:, 3 * H:4 * H] = src_te
    out_src_ref[:, 4 * H:5 * H] = evt

    out_dst_ref[:, 0:H] = type_b
    out_dst_ref[:, H:2 * H] = dst_embs
    out_dst_ref[:, 2 * H:3 * H] = src_embs
    out_dst_ref[:, 3 * H:4 * H] = dst_te
    out_dst_ref[:, 4 * H:5 * H] = evt


@functools.lru_cache(maxsize=None)
def _make_assemble(E, H, B=512, nblocks=None, block0=0, aliased=False,
                   interpret=False):
    if nblocks is None:
        nblocks = E // B
    col = pl.BlockSpec((B, 1), lambda i: (block0 + i, 0))
    ccol = pl.BlockSpec((B, 1), lambda i: (i, 0))
    crow = pl.BlockSpec((B, H), lambda i: (i, 0))
    row = pl.BlockSpec((B, H), lambda i: (block0 + i, 0))
    const = pl.BlockSpec((1, H), lambda i: (0, 0))
    in_specs = [col, col, col, col, ccol, ccol, crow, crow, row, const, const]
    if aliased:
        hbm = pl.BlockSpec(memory_space=pltpu.MemorySpace.HBM)
        in_specs += [hbm, hbm]

        def body(t, sm, dm, ts, sl, dl, sr, dr, ev, w, b, _a1, _a2, o1, o2):
            _assemble_body(t, sm, dm, ts, sl, dl, sr, dr, ev, w, b, o1, o2)
    else:
        body = _assemble_body
    return pl.pallas_call(
        body,
        grid=(nblocks,),
        in_specs=in_specs,
        out_specs=[
            pl.BlockSpec((B, 5 * H), lambda i: (block0 + i, 0)),
            pl.BlockSpec((B, 5 * H), lambda i: (block0 + i, 0)),
        ],
        out_shape=[
            jax.ShapeDtypeStruct((E, 5 * H), jnp.float32),
            jax.ShapeDtypeStruct((E, 5 * H), jnp.float32),
        ],
        input_output_aliases={11: 0, 12: 1} if aliased else {},
        compiler_params=pltpu.CompilerParams(
            dimension_semantics=("parallel",),
        ),
        interpret=interpret,
    )


_N_STAGES = 1
_BLOCK = 1600


def kernel(event_type_ids, src_ids, src_mask, dst_ids, dst_mask,
           event_embeddings, event_timestamps, memory, last_update,
           time_w, time_b):
    E, H = event_embeddings.shape
    N = memory.shape[0]

    Ec = E // _N_STAGES
    nblocks = Ec // _BLOCK
    src_ids = src_ids.astype(jnp.int32)
    dst_ids = dst_ids.astype(jnp.int32)
    type_col = event_type_ids.astype(jnp.int32).reshape(E, 1)
    smask = src_mask.reshape(E, 1)
    dmask = dst_mask.reshape(E, 1)
    ts = event_timestamps.reshape(E, 1)
    w = time_w.reshape(1, H)
    b = time_b.reshape(1, H)

    out_src = out_dst = None
    for c in range(_N_STAGES):
        lo = c * Ec
        srows, drows, slu, dlu = _make_sc_gather(Ec, N, H, lo)(
            memory,
            last_update,
            src_ids,
            dst_ids,
        )
        args = (
            type_col,
            smask,
            dmask,
            ts,
            slu.reshape(Ec, 1),
            dlu.reshape(Ec, 1),
            srows,
            drows,
            event_embeddings,
            w,
            b,
        )
        assemble = _make_assemble(E, H, _BLOCK, nblocks, c * nblocks,
                                  aliased=(c > 0))
        if c == 0:
            out_src, out_dst = assemble(*args)
        else:
            out_src, out_dst = assemble(*args, out_src, out_dst)
    return (out_src, out_dst)

# --- scband reference (transcript-rebuilt; emitter-appended) ---
"""Pipeline reference for scband-temporal-graph-network-49503793053785 (READ-ONLY COPY).

The authoritative reference and input builder live on the scoring server;
editing this copy changes nothing except your own understanding.
"""

import jax, jax.numpy as jnp
import numpy as np

HIDDEN_DIM = 128
N_NODES = 10000
E = 320000


def time_encode(t, w, b):
    # TGN-style time encoder: cos(t * w + b), Linear(1, hidden_dim) followed by cos
    return jnp.cos(t[:, None] * w[None, :] + b[None, :])


def setup_inputs(seed: int = 0) -> dict:
    key = jax.random.key(seed)
    ks = jax.random.split(key, 11)
    return {
        "event_type_ids": jax.random.randint(ks[0], (E,), 0, 10),
        "src_ids": jax.random.randint(ks[1], (E,), 0, N_NODES),
        "src_mask": jax.random.uniform(ks[2], (E,), dtype=jnp.float32),
        "dst_ids": jax.random.randint(ks[3], (E,), 0, N_NODES),
        "dst_mask": jax.random.uniform(ks[4], (E,), dtype=jnp.float32),
        "event_embeddings": jax.random.normal(ks[5], (E, HIDDEN_DIM), dtype=jnp.float32),
        "event_timestamps": jax.random.uniform(ks[6], (E,), dtype=jnp.float32) * 1000.0,
        # learned / stateful buffers (dict memory materialized as dense tables)
        "memory": jax.random.normal(ks[7], (N_NODES, HIDDEN_DIM), dtype=jnp.float32),
        "last_update": jax.random.uniform(ks[8], (N_NODES,), dtype=jnp.float32) * 1000.0,
        "time_w": jax.random.normal(ks[9], (HIDDEN_DIM,), dtype=jnp.float32),
        "time_b": jax.random.normal(ks[10], (HIDDEN_DIM,), dtype=jnp.float32),
    }


def reference(event_type_ids, src_ids, src_mask, dst_ids, dst_mask,
              event_embeddings, event_timestamps, memory, last_update,
              time_w, time_b):
    H = memory.shape[1]
    n = event_type_ids.shape[0]
    # event_type_ids.unsqueeze(-1).expand(-1, hidden_dim)
    event_type_embs = jnp.broadcast_to(
        event_type_ids.astype(jnp.float32)[:, None], (n, H))
    # torch.stack([self.memory[i] for i in ids]) -> gather from memory table
    src_embs = jnp.take(memory, src_ids, axis=0) * src_mask[:, None]
    dst_embs = jnp.take(memory, dst_ids, axis=0) * dst_mask[:, None]
    src_last_update = jnp.take(last_update, src_ids, axis=0)
    dst_last_update = jnp.take(last_update, dst_ids, axis=0)
    # NOTE: original code uses dst_mask for BOTH (kept faithful)
    src_timestamp_emb = time_encode(event_timestamps - src_last_update * dst_mask, time_w, time_b)
    dst_timestamp_emb = time_encode(event_timestamps - dst_last_update * dst_mask, time_w, time_b)
    src_messages = jnp.concatenate(
        [event_type_embs, src_embs, dst_embs, src_timestamp_emb, event_embeddings], axis=1)
    dst_messages = jnp.concatenate(
        [event_type_embs, dst_embs, src_embs, dst_timestamp_emb, event_embeddings], axis=1)
    return (src_messages, dst_messages)

if __name__ == "__main__":
    import jax
    _d = setup_inputs()
    print(jax.jit(kernel)(*tuple(_d.values())))

</pallas_src>

<mosaic_0001>
#map = affine_map<(d0, d1) -> (0, 0)>
#map1 = affine_map<(d0, d1) -> (0)>
module attributes {stable_mosaic.version = 14 : i64} {
  func.func @sc_gather(%arg0: i32, %arg1: i32, %arg2: memref<10000x128xf32, #tpu.memory_space<hbm>>, %arg3: memref<10000xf32, #tpu.memory_space<hbm>>, %arg4: memref<320000xi32, #tpu.memory_space<hbm>>, %arg5: memref<320000xi32, #tpu.memory_space<hbm>>, %arg6: memref<320000x128xf32, #tpu.memory_space<hbm>>, %arg7: memref<320000x128xf32, #tpu.memory_space<hbm>>, %arg8: memref<320000xf32, #tpu.memory_space<hbm>>, %arg9: memref<320000xf32, #tpu.memory_space<hbm>>, %arg10: memref<128xi32, #tpu.memory_space<vmem>>, %arg11: memref<128xi32, #tpu.memory_space<vmem>>, %arg12: memref<128x128xf32, #tpu.memory_space<vmem>>, %arg13: memref<128x128xf32, #tpu.memory_space<vmem>>, %arg14: memref<128xf32, #tpu.memory_space<vmem>>, %arg15: memref<128xf32, #tpu.memory_space<vmem>>, %arg16: memref<10000xf32, #tpu.memory_space<vmem>>, %arg17: memref<!tpu.dma_semaphore, #tpu.memory_space<semaphore_mem>>) attributes {dimension_semantics = [#tpu.dimension_semantics<core_parallel>, #tpu.dimension_semantics<subcore_parallel>], iteration_bounds = array<i64: 2, 16>, scalar_prefetch = 0 : i64, scratch_operands = 8 : i64, tpu.core_type = #tpu.core_type<sc_vector_subcore>, window_params = [{transform_indices = #map}, {transform_indices = #map1}, {transform_indices = #map1}, {transform_indices = #map1}, {transform_indices = #map}, {transform_indices = #map}, {transform_indices = #map1}, {transform_indices = #map1}]} {
    %mul3A = arith.constant 2 : i32
    %mul3A_0 = arith.muli %arg1, %mul3A : i32
    %add3A = arith.addi %mul3A_0, %arg0 : i32
    "tpu.region"() ({
      %run_scoped3A = tpu.sem_alloc : memref<!tpu.dma_semaphore, #tpu.memory_space<semaphore_mem>>
      tpu.enqueue_dma source(%arg3 : memref<10000xf32, #tpu.memory_space<hbm>>) target(%arg16 : memref<10000xf32, #tpu.memory_space<vmem>>) target_semaphore(%run_scoped3A : memref<!tpu.dma_semaphore, #tpu.memory_space<semaphore_mem>>)
      tpu.wait_dma2 semaphore(%run_scoped3A : memref<!tpu.dma_semaphore, #tpu.memory_space<semaphore_mem>>) src(%arg3 : memref<10000xf32, #tpu.memory_space<hbm>>) dst(%arg16 : memref<10000xf32, #tpu.memory_space<vmem>>)
      tpu.yield
    }) : () -> ()
    %scan3A = arith.constant 0 : i32
    %scan3A_1 = arith.constant 79 : i32
    %scan3A_2 = arith.addi %scan3A, %scan3A_1 : i32
    %scan3A_3 = arith.constant 1 : i32
    scf.for %scan3A_5 = %scan3A to %scan3A_2 step %scan3A_3  : i32 {
      %mul3A_6 = arith.constant 32 : i32
      %mul3A_7 = arith.muli %mul3A_6, %scan3A_5 : i32
      %add3A_8 = arith.addi %add3A, %mul3A_7 : i32
      %lt3A = arith.constant 2500 : i32
      %lt3A_9 = arith.cmpi slt, %add3A_8, %lt3A : i32
      %convert_element_type3A = arith.extui %lt3A_9 : i1 to i32
      %cond3A = arith.constant 0 : i32
      %cond3A_10 = arith.cmpi ne, %convert_element_type3A, %cond3A : i32
      scf.if %cond3A_10 {
        %mul3A_11 = arith.constant 128 : i32
        %mul3A_12 = arith.muli %add3A_8, %mul3A_11 : i32
        %add3A_13 = arith.constant 0 : i32
        %add3A_14 = arith.addi %add3A_13, %mul3A_12 : i32
        "tpu.region"() ({
          %run_scoped3A = tpu.sem_alloc : memref<!tpu.dma_semaphore, #tpu.memory_space<semaphore_mem>>
          %dma_start3A_104 = tpu.memref_slice %arg4[%add3A_14] : memref<320000xi32, #tpu.memory_space<hbm>> -> memref<128xi32, #tpu.memory_space<hbm>>
          %dma_start3A_105 = tpu.memref_slice %arg4[%add3A_14] : memref<320000xi32, #tpu.memory_space<hbm>> -> memref<128xi32, #tpu.memory_space<hbm>>
          tpu.enqueue_dma source(%dma_start3A_105 : memref<128xi32, #tpu.memory_space<hbm>>) target(%arg10 : memref<128xi32, #tpu.memory_space<vmem>>) target_semaphore(%run_scoped3A : memref<!tpu.dma_semaphore, #tpu.memory_space<semaphore_mem>>)
          %dma_wait3A_106 = tpu.memref_slice %arg4[%add3A_14] : memref<320000xi32, #tpu.memory_space<hbm>> -> memref<128xi32, #tpu.memory_space<hbm>>
          %dma_wait3A_107 = tpu.memref_slice %arg4[%add3A_14] : memref<320000xi32, #tpu.memory_space<hbm>> -> memref<128xi32, #tpu.memory_space<hbm>>
          tpu.wait_dma2 semaphore(%run_scoped3A : memref<!tpu.dma_semaphore, #tpu.memory_space<semaphore_mem>>) src(%dma_wait3A_107 : memref<128xi32, #tpu.memory_space<hbm>>) dst(%arg10 : memref<128xi32, #tpu.memory_space<vmem>>)
          tpu.yield
        }) : () -> ()
        %add3A_15 = arith.constant 0 : i32
        %add3A_16 = arith.addi %add3A_15, %mul3A_12 : i32
        "tpu.region"() ({
          %run_scoped3A = tpu.sem_alloc : memref<!tpu.dma_semaphore, #tpu.memory_space<semaphore_mem>>
          %dma_start3A_104 = tpu.memref_slice %arg5[%add3A_16] : memref<320000xi32, #tpu.memory_space<hbm>> -> memref<128xi32, #tpu.memory_space<hbm>>
          %dma_start3A_105 = tpu.memref_slice %arg5[%add3A_16] : memref<320000xi32, #tpu.memory_space<hbm>> -> memref<128xi32, #tpu.memory_space<hbm>>
          tpu.enqueue_dma source(%dma_start3A_105 : memref<128xi32, #tpu.memory_space<hbm>>) target(%arg11 : memref<128xi32, #tpu.memory_space<vmem>>) target_semaphore(%run_scoped3A : memref<!tpu.dma_semaphore, #tpu.memory_space<semaphore_mem>>)
          %dma_wait3A_106 = tpu.memref_slice %arg5[%add3A_16] : memref<320000xi32, #tpu.memory_space<hbm>> -> memref<128xi32, #tpu.memory_space<hbm>>
          %dma_wait3A_107 = tpu.memref_slice %arg5[%add3A_16] : memref<320000xi32, #tpu.memory_space<hbm>> -> memref<128xi32, #tpu.memory_space<hbm>>
          tpu.wait_dma2 semaphore(%run_scoped3A : memref<!tpu.dma_semaphore, #tpu.memory_space<semaphore_mem>>) src(%dma_wait3A_107 : memref<128xi32, #tpu.memory_space<hbm>>) dst(%arg11 : memref<128xi32, #tpu.memory_space<vmem>>)
          tpu.yield
        }) : () -> ()
        %dma_start3A = arith.constant 0 : i32
        %dma_start3A_17 = arith.constant 0 : i32
        %dma_start3A_18 = tpu.memref_slice %arg2[%dma_start3A, %dma_start3A_17] : memref<10000x128xf32, #tpu.memory_space<hbm>> -> memref<10000x128xf32, #tpu.memory_space<hbm>>
        tpu.enqueue_indirect_dma source(%dma_start3A_18 : memref<10000x128xf32, #tpu.memory_space<hbm>>) target(%arg12 : memref<128x128xf32, #tpu.memory_space<vmem>>) offsets(%arg10 : memref<128xi32, #tpu.memory_space<vmem>>) semaphore(%arg17 : memref<!tpu.dma_semaphore, #tpu.memory_space<semaphore_mem>>)
        %dma_start3A_19 = arith.constant 0 : i32
        %dma_start3A_20 = arith.constant 0 : i32
        %dma_start3A_21 = tpu.memref_slice %arg2[%dma_start3A_19, %dma_start3A_20] : memref<10000x128xf32, #tpu.memory_space<hbm>> -> memref<10000x128xf32, #tpu.memory_space<hbm>>
        tpu.enqueue_indirect_dma source(%dma_start3A_21 : memref<10000x128xf32, #tpu.memory_space<hbm>>) target(%arg13 : memref<128x128xf32, #tpu.memory_space<vmem>>) offsets(%arg11 : memref<128xi32, #tpu.memory_space<vmem>>) semaphore(%arg17 : memref<!tpu.dma_semaphore, #tpu.memory_space<semaphore_mem>>)
        %get3A = arith.constant 0 : index
        %get3A_22 = tpu.vector_load %arg10[%get3A] {strides = array<i32>} : memref<128xi32, #tpu.memory_space<vmem>>, vector<16xi32>,
        %gather3A = tpu.vector_load_idx %arg16[%get3A_22] : memref<10000xf32, #tpu.memory_space<vmem>>[vector<16xi32>], vector<16xf32>,
        %swap3A = arith.constant 0 : index
        %swap3A_23 = tpu.vector_load %arg14[%swap3A] {strides = array<i32>} : memref<128xf32, #tpu.memory_space<vmem>>, vector<16xf32>,
        tpu.vector_store %arg14[%swap3A], %gather3A {strides = array<i32>} : memref<128xf32, #tpu.memory_space<vmem>>, vector<16xf32>,
        %get3A_24 = arith.constant 0 : index
        %get3A_25 = tpu.vector_load %arg11[%get3A_24] {strides = array<i32>} : memref<128xi32, #tpu.memory_space<vmem>>, vector<16xi32>,
        %gather3A_26 = tpu.vector_load_idx %arg16[%get3A_25] : memref<10000xf32, #tpu.memory_space<vmem>>[vector<16xi32>], vector<16xf32>,
        %swap3A_27 = arith.constant 0 : index
        %swap3A_28 = tpu.vector_load %arg15[%swap3A_27] {strides = array<i32>} : memref<128xf32, #tpu.memory_space<vmem>>, vector<16xf32>,
        tpu.vector_store %arg15[%swap3A_27], %gather3A_26 {strides = array<i32>} : memref<128xf32, #tpu.memory_space<vmem>>, vector<16xf32>,
        %get3A_29 = arith.constant 16 : index
        %get3A_30 = tpu.vector_load %arg10[%get3A_29] {strides = array<i32>} : memref<128xi32, #tpu.memory_space<vmem>>, vector<16xi32>,
        %gather3A_31 = tpu.vector_load_idx %arg16[%get3A_30] : memref<10000xf32, #tpu.memory_space<vmem>>[vector<16xi32>], vector<16xf32>,
        %swap3A_32 = arith.constant 16 : index
        %swap3A_33 = tpu.vector_load %arg14[%swap3A_32] {strides = array<i32>} : memref<128xf32, #tpu.memory_space<vmem>>, vector<16xf32>,
        tpu.vector_store %arg14[%swap3A_32], %gather3A_31 {strides = array<i32>} : memref<128xf32, #tpu.memory_space<vmem>>, vector<16xf32>,
        %get3A_34 = arith.constant 16 : index
        %get3A_35 = tpu.vector_load %arg11[%get3A_34] {strides = array<i32>} : memref<128xi32, #tpu.memory_space<vmem>>, vector<16xi32>,
        %gather3A_36 = tpu.vector_load_idx %arg16[%get3A_35] : memref<10000xf32, #tpu.memory_space<vmem>>[vector<16xi32>], vector<16xf32>,
        %swap3A_37 = arith.constant 16 : index
        %swap3A_38 = tpu.vector_load %arg15[%swap3A_37] {strides = array<i32>} : memref<128xf32, #tpu.memory_space<vmem>>, vector<16xf32>,
        tpu.vector_store %arg15[%swap3A_37], %gather3A_36 {strides = array<i32>} : memref<128xf32, #tpu.memory_space<vmem>>, vector<16xf32>,
        %get3A_39 = arith.constant 32 : index
        %get3A_40 = tpu.vector_load %arg10[%get3A_39] {strides = array<i32>} : memref<128xi32, #tpu.memory_space<vmem>>, vector<16xi32>,
        %gather3A_41 = tpu.vector_load_idx %arg16[%get3A_40] : memref<10000xf32, #tpu.memory_space<vmem>>[vector<16xi32>], vector<16xf32>,
        %swap3A_42 = arith.constant 32 : index
        %swap3A_43 = tpu.vector_load %arg14[%swap3A_42] {strides = array<i32>} : memref<128xf32, #tpu.memory_space<vmem>>, vector<16xf32>,
        tpu.vector_store %arg14[%swap3A_42], %gather3A_41 {strides = array<i32>} : memref<128xf32, #tpu.memory_space<vmem>>, vector<16xf32>,
        %get3A_44 = arith.constant 32 : index
        %get3A_45 = tpu.vector_load %arg11[%get3A_44] {strides = array<i32>} : memref<128xi32, #tpu.memory_space<vmem>>, vector<16xi32>,
        %gather3A_46 = tpu.vector_load_idx %arg16[%get3A_45] : memref<10000xf32, #tpu.memory_space<vmem>>[vector<16xi32>], vector<16xf32>,
        %swap3A_47 = arith.constant 32 : index
        %swap3A_48 = tpu.vector_load %arg15[%swap3A_47] {strides = array<i32>} : memref<128xf32, #tpu.memory_space<vmem>>, vector<16xf32>,
        tpu.vector_store %arg15[%swap3A_47], %gather3A_46 {strides = array<i32>} : memref<128xf32, #tpu.memory_space<vmem>>, vector<16xf32>,
        %get3A_49 = arith.constant 48 : index
        %get3A_50 = tpu.vector_load %arg10[%get3A_49] {strides = array<i32>} : memref<128xi32, #tpu.memory_space<vmem>>, vector<16xi32>,
        %gather3A_51 = tpu.vector_load_idx %arg16[%get3A_50] : memref<10000xf32, #tpu.memory_space<vmem>>[vector<16xi32>], vector<16xf32>,
        %swap3A_52 = arith.constant 48 : index
        %swap3A_53 = tpu.vector_load %arg14[%swap3A_52] {strides = array<i32>} : memref<128xf32, #tpu.memory_space<vmem>>, vector<16xf32>,
        tpu.vector_store %arg14[%swap3A_52], %gather3A_51 {strides = array<i32>} : memref<128xf32, #tpu.memory_space<vmem>>, vector<16xf32>,
        %get3A_54 = arith.constant 48 : index
        %get3A_55 = tpu.vector_load %arg11[%get3A_54] {strides = array<i32>} : memref<128xi32, #tpu.memory_space<vmem>>, vector<16xi32>,
        %gather3A_56 = tpu.vector_load_idx %arg16[%get3A_55] : memref<10000xf32, #tpu.memory_space<vmem>>[vector<16xi32>], vector<16xf32>,
        %swap3A_57 = arith.constant 48 : index
        %swap3A_58 = tpu.vector_load %arg15[%swap3A_57] {strides = array<i32>} : memref<128xf32, #tpu.memory_space<vmem>>, vector<16xf32>,
        tpu.vector_store %arg15[%swap3A_57], %gather3A_56 {strides = array<i32>} : memref<128xf32, #tpu.memory_space<vmem>>, vector<16xf32>,
        %get3A_59 = arith.constant 64 : index
        %get3A_60 = tpu.vector_load %arg10[%get3A_59] {strides = array<i32>} : memref<128xi32, #tpu.memory_space<vmem>>, vector<16xi32>,
        %gather3A_61 = tpu.vector_load_idx %arg16[%get3A_60] : memref<10000xf32, #tpu.memory_space<vmem>>[vector<16xi32>], vector<16xf32>,
        %swap3A_62 = arith.constant 64 : index
        %swap3A_63 = tpu.vector_load %arg14[%swap3A_62] {strides = array<i32>} : memref<128xf32, #tpu.memory_space<vmem>>, vector<16xf32>,
        tpu.vector_store %arg14[%swap3A_62], %gather3A_61 {strides = array<i32>} : memref<128xf32, #tpu.memory_space<vmem>>, vector<16xf32>,
        %get3A_64 = arith.constant 64 : index
        %get3A_65 = tpu.vector_load %arg11[%get3A_64] {strides = array<i32>} : memref<128xi32, #tpu.memory_space<vmem>>, vector<16xi32>,
        %gather3A_66 = tpu.vector_load_idx %arg16[%get3A_65] : memref<10000xf32, #tpu.memory_space<vmem>>[vector<16xi32>], vector<16xf32>,
        %swap3A_67 = arith.constant 64 : index
        %swap3A_68 = tpu.vector_load %arg15[%swap3A_67] {strides = array<i32>} : memref<128xf32, #tpu.memory_space<vmem>>, vector<16xf32>,
        tpu.vector_store %arg15[%swap3A_67], %gather3A_66 {strides = array<i32>} : memref<128xf32, #tpu.memory_space<vmem>>, vector<16xf32>,
        %get3A_69 = arith.constant 80 : index
        %get3A_70 = tpu.vector_load %arg10[%get3A_69] {strides = array<i32>} : memref<128xi32, #tpu.memory_space<vmem>>, vector<16xi32>,
        %gather3A_71 = tpu.vector_load_idx %arg16[%get3A_70] : memref<10000xf32, #tpu.memory_space<vmem>>[vector<16xi32>], vector<16xf32>,
        %swap3A_72 = arith.constant 80 : index
        %swap3A_73 = tpu.vector_load %arg14[%swap3A_72] {strides = array<i32>} : memref<128xf32, #tpu.memory_space<vmem>>, vector<16xf32>,
        tpu.vector_store %arg14[%swap3A_72], %gather3A_71 {strides = array<i32>} : memref<128xf32, #tpu.memory_space<vmem>>, vector<16xf32>,
        %get3A_74 = arith.constant 80 : index
        %get3A_75 = tpu.vector_load %arg11[%get3A_74] {strides = array<i32>} : memref<128xi32, #tpu.memory_space<vmem>>, vector<16xi32>,
        %gather3A_76 = tpu.vector_load_idx %arg16[%get3A_75] : memref<10000xf32, #tpu.memory_space<vmem>>[vector<16xi32>], vector<16xf32>,
        %swap3A_77 = arith.constant 80 : index
        %swap3A_78 = tpu.vector_load %arg15[%swap3A_77] {strides = array<i32>} : memref<128xf32, #tpu.memory_space<vmem>>, vector<16xf32>,
        tpu.vector_store %arg15[%swap3A_77], %gather3A_76 {strides = array<i32>} : memref<128xf32, #tpu.memory_space<vmem>>, vector<16xf32>,
        %get3A_79 = arith.constant 96 : index
        %get3A_80 = tpu.vector_load %arg10[%get3A_79] {strides = array<i32>} : memref<128xi32, #tpu.memory_space<vmem>>, vector<16xi32>,
        %gather3A_81 = tpu.vector_load_idx %arg16[%get3A_80] : memref<10000xf32, #tpu.memory_space<vmem>>[vector<16xi32>], vector<16xf32>,
        %swap3A_82 = arith.constant 96 : index
        %swap3A_83 = tpu.vector_load %arg14[%swap3A_82] {strides = array<i32>} : memref<128xf32, #tpu.memory_space<vmem>>, vector<16xf32>,
        tpu.vector_store %arg14[%swap3A_82], %gather3A_81 {strides = array<i32>} : memref<128xf32, #tpu.memory_space<vmem>>, vector<16xf32>,
        %get3A_84 = arith.constant 96 : index
        %get3A_85 = tpu.vector_load %arg11[%get3A_84] {strides = array<i32>} : memref<128xi32, #tpu.memory_space<vmem>>, vector<16xi32>,
        %gather3A_86 = tpu.vector_load_idx %arg16[%get3A_85] : memref<10000xf32, #tpu.memory_space<vmem>>[vector<16xi32>], vector<16xf32>,
        %swap3A_87 = arith.constant 96 : index
        %swap3A_88 = tpu.vector_load %arg15[%swap3A_87] {strides = array<i32>} : memref<128xf32, #tpu.memory_space<vmem>>, vector<16xf32>,
        tpu.vector_store %arg15[%swap3A_87], %gather3A_86 {strides = array<i32>} : memref<128xf32, #tpu.memory_space<vmem>>, vector<16xf32>,
        %get3A_89 = arith.constant 112 : index
        %get3A_90 = tpu.vector_load %arg10[%get3A_89] {strides = array<i32>} : memref<128xi32, #tpu.memory_space<vmem>>, vector<16xi32>,
        %gather3A_91 = tpu.vector_load_idx %arg16[%get3A_90] : memref<10000xf32, #tpu.memory_space<vmem>>[vector<16xi32>], vector<16xf32>,
        %swap3A_92 = arith.constant 112 : index
        %swap3A_93 = tpu.vector_load %arg14[%swap3A_92] {strides = array<i32>} : memref<128xf32, #tpu.memory_space<vmem>>, vector<16xf32>,
        tpu.vector_store %arg14[%swap3A_92], %gather3A_91 {strides = array<i32>} : memref<128xf32, #tpu.memory_space<vmem>>, vector<16xf32>,
        %get3A_94 = arith.constant 112 : index
        %get3A_95 = tpu.vector_load %arg11[%get3A_94] {strides = array<i32>} : memref<128xi32, #tpu.memory_space<vmem>>, vector<16xi32>,
        %gather3A_96 = tpu.vector_load_idx %arg16[%get3A_95] : memref<10000xf32, #tpu.memory_space<vmem>>[vector<16xi32>], vector<16xf32>,
        %swap3A_97 = arith.constant 112 : index
        %swap3A_98 = tpu.vector_load %arg15[%swap3A_97] {strides = array<i32>} : memref<128xf32, #tpu.memory_space<vmem>>, vector<16xf32>,
        tpu.vector_store %arg15[%swap3A_97], %gather3A_96 {strides = array<i32>} : memref<128xf32, #tpu.memory_space<vmem>>, vector<16xf32>,
        %dma_wait3A = arith.constant 0 : i32
        %dma_wait3A_99 = arith.constant 0 : i32
        %dma_wait3A_100 = tpu.memref_slice %arg2[%dma_wait3A, %dma_wait3A_99] : memref<10000x128xf32, #tpu.memory_space<hbm>> -> memref<10000x128xf32, #tpu.memory_space<hbm>>
        tpu.wait_indirect_dma semaphore(%arg17 : memref<!tpu.dma_semaphore, #tpu.memory_space<semaphore_mem>>) src(%dma_wait3A_100 : memref<10000x128xf32, #tpu.memory_space<hbm>>) dst(%arg12 : memref<128x128xf32, #tpu.memory_space<vmem>>)
        %dma_wait3A_101 = arith.constant 0 : i32
        %dma_wait3A_102 = arith.constant 0 : i32
        %dma_wait3A_103 = tpu.memref_slice %arg2[%dma_wait3A_101, %dma_wait3A_102] : memref<10000x128xf32, #tpu.memory_space<hbm>> -> memref<10000x128xf32, #tpu.memory_space<hbm>>
        tpu.wait_indirect_dma semaphore(%arg17 : memref<!tpu.dma_semaphore, #tpu.memory_space<semaphore_mem>>) src(%dma_wait3A_103 : memref<10000x128xf32, #tpu.memory_space<hbm>>) dst(%arg13 : memref<128x128xf32, #tpu.memory_space<vmem>>)
        "tpu.region"() ({
          %run_scoped3A = tpu.sem_alloc : memref<!tpu.dma_semaphore, #tpu.memory_space<semaphore_mem>>
          %dma_start3A_104 = arith.constant 0 : i32
          %dma_start3A_105 = tpu.memref_slice %arg6[%mul3A_12, %dma_start3A_104] : memref<320000x128xf32, #tpu.memory_space<hbm>> -> memref<128x128xf32, #tpu.memory_space<hbm>>
          %dma_start3A_106 = arith.constant 0 : i32
          %dma_start3A_107 = tpu.memref_slice %arg6[%mul3A_12, %dma_start3A_106] : memref<320000x128xf32, #tpu.memory_space<hbm>> -> memref<128x128xf32, #tpu.memory_space<hbm>>
          tpu.enqueue_dma source(%arg12 : memref<128x128xf32, #tpu.memory_space<vmem>>) target(%dma_start3A_107 : memref<128x128xf32, #tpu.memory_space<hbm>>) target_semaphore(%run_scoped3A : memref<!tpu.dma_semaphore, #tpu.memory_space<semaphore_mem>>)
          %dma_wait3A_108 = arith.constant 0 : i32
          %dma_wait3A_109 = tpu.memref_slice %arg6[%mul3A_12, %dma_wait3A_108] : memref<320000x128xf32, #tpu.memory_space<hbm>> -> memref<128x128xf32, #tpu.memory_space<hbm>>
          %dma_wait3A_110 = arith.constant 0 : i32
          %dma_wait3A_111 = tpu.memref_slice %arg6[%mul3A_12, %dma_wait3A_110] : memref<320000x128xf32, #tpu.memory_space<hbm>> -> memref<128x128xf32, #tpu.memory_space<hbm>>
          tpu.wait_dma2 semaphore(%run_scoped3A : memref<!tpu.dma_semaphore, #tpu.memory_space<semaphore_mem>>) src(%arg12 : memref<128x128xf32, #tpu.memory_space<vmem>>) dst(%dma_wait3A_111 : memref<128x128xf32, #tpu.memory_space<hbm>>)
          tpu.yield
        }) : () -> ()
        "tpu.region"() ({
          %run_scoped3A = tpu.sem_alloc : memref<!tpu.dma_semaphore, #tpu.memory_space<semaphore_mem>>
          %dma_start3A_104 = arith.constant 0 : i32
          %dma_start3A_105 = tpu.memref_slice %arg7[%mul3A_12, %dma_start3A_104] : memref<320000x128xf32, #tpu.memory_space<hbm>> -> memref<128x128xf32, #tpu.memory_space<hbm>>
          %dma_start3A_106 = arith.constant 0 : i32
          %dma_start3A_107 = tpu.memref_slice %arg7[%mul3A_12, %dma_start3A_106] : memref<320000x128xf32, #tpu.memory_space<hbm>> -> memref<128x128xf32, #tpu.memory_space<hbm>>
          tpu.enqueue_dma source(%arg13 : memref<128x128xf32, #tpu.memory_space<vmem>>) target(%dma_start3A_107 : memref<128x128xf32, #tpu.memory_space<hbm>>) target_semaphore(%run_scoped3A : memref<!tpu.dma_semaphore, #tpu.memory_space<semaphore_mem>>)
          %dma_wait3A_108 = arith.constant 0 : i32
          %dma_wait3A_109 = tpu.memref_slice %arg7[%mul3A_12, %dma_wait3A_108] : memref<320000x128xf32, #tpu.memory_space<hbm>> -> memref<128x128xf32, #tpu.memory_space<hbm>>
          %dma_wait3A_110 = arith.constant 0 : i32
          %dma_wait3A_111 = tpu.memref_slice %arg7[%mul3A_12, %dma_wait3A_110] : memref<320000x128xf32, #tpu.memory_space<hbm>> -> memref<128x128xf32, #tpu.memory_space<hbm>>
          tpu.wait_dma2 semaphore(%run_scoped3A : memref<!tpu.dma_semaphore, #tpu.memory_space<semaphore_mem>>) src(%arg13 : memref<128x128xf32, #tpu.memory_space<vmem>>) dst(%dma_wait3A_111 : memref<128x128xf32, #tpu.memory_space<hbm>>)
          tpu.yield
        }) : () -> ()
        "tpu.region"() ({
          %run_scoped3A = tpu.sem_alloc : memref<!tpu.dma_semaphore, #tpu.memory_space<semaphore_mem>>
          %dma_start3A_104 = tpu.memref_slice %arg8[%mul3A_12] : memref<320000xf32, #tpu.memory_space<hbm>> -> memref<128xf32, #tpu.memory_space<hbm>>
          %dma_start3A_105 = tpu.memref_slice %arg8[%mul3A_12] : memref<320000xf32, #tpu.memory_space<hbm>> -> memref<128xf32, #tpu.memory_space<hbm>>
          tpu.enqueue_dma source(%arg14 : memref<128xf32, #tpu.memory_space<vmem>>) target(%dma_start3A_105 : memref<128xf32, #tpu.memory_space<hbm>>) target_semaphore(%run_scoped3A : memref<!tpu.dma_semaphore, #tpu.memory_space<semaphore_mem>>)
          %dma_wait3A_106 = tpu.memref_slice %arg8[%mul3A_12] : memref<320000xf32, #tpu.memory_space<hbm>> -> memref<128xf32, #tpu.memory_space<hbm>>
          %dma_wait3A_107 = tpu.memref_slice %arg8[%mul3A_12] : memref<320000xf32, #tpu.memory_space<hbm>> -> memref<128xf32, #tpu.memory_space<hbm>>
          tpu.wait_dma2 semaphore(%run_scoped3A : memref<!tpu.dma_semaphore, #tpu.memory_space<semaphore_mem>>) src(%arg14 : memref<128xf32, #tpu.memory_space<vmem>>) dst(%dma_wait3A_107 : memref<128xf32, #tpu.memory_space<hbm>>)
          tpu.yield
        }) : () -> ()
        "tpu.region"() ({
          %run_scoped3A = tpu.sem_alloc : memref<!tpu.dma_semaphore, #tpu.memory_space<semaphore_mem>>
          %dma_start3A_104 = tpu.memref_slice %arg9[%mul3A_12] : memref<320000xf32, #tpu.memory_space<hbm>> -> memref<128xf32, #tpu.memory_space<hbm>>
          %dma_start3A_105 = tpu.memref_slice %arg9[%mul3A_12] : memref<320000xf32, #tpu.memory_space<hbm>> -> memref<128xf32, #tpu.memory_space<hbm>>
          tpu.enqueue_dma source(%arg15 : memref<128xf32, #tpu.memory_space<vmem>>) target(%dma_start3A_105 : memref<128xf32, #tpu.memory_space<hbm>>) target_semaphore(%run_scoped3A : memref<!tpu.dma_semaphore, #tpu.memory_space<semaphore_mem>>)
          %dma_wait3A_106 = tpu.memref_slice %arg9[%mul3A_12] : memref<320000xf32, #tpu.memory_space<hbm>> -> memref<128xf32, #tpu.memory_space<hbm>>
          %dma_wait3A_107 = tpu.memref_slice %arg9[%mul3A_12] : memref<320000xf32, #tpu.memory_space<hbm>> -> memref<128xf32, #tpu.memory_space<hbm>>
          tpu.wait_dma2 semaphore(%run_scoped3A : memref<!tpu.dma_semaphore, #tpu.memory_space<semaphore_mem>>) src(%arg15 : memref<128xf32, #tpu.memory_space<vmem>>) dst(%dma_wait3A_107 : memref<128xf32, #tpu.memory_space<hbm>>)
          tpu.yield
        }) : () -> ()
      } else {
      }
    }
    %scan3A_4 = arith.constant 79 : i32
    return
  }
}

module attributes {stable_mosaic.version = 14 : i64} {
  func.func @_assemble_body(%arg0: i32, %arg1: memref<1600x1xi32, #tpu.memory_space<vmem>>, %arg2: memref<1600x1xf32, #tpu.memory_space<vmem>>, %arg3: memref<1600x1xf32, #tpu.memory_space<vmem>>, %arg4: memref<1600x1xf32, #tpu.memory_space<vmem>>, %arg5: memref<1600x1xf32, #tpu.memory_space<vmem>>, %arg6: memref<1600x1xf32, #tpu.memory_space<vmem>>, %arg7: memref<1600x128xf32, #tpu.memory_space<vmem>>, %arg8: memref<1600x128xf32, #tpu.memory_space<vmem>>, %arg9: memref<1600x128xf32, #tpu.memory_space<vmem>>, %arg10: memref<1x128xf32, #tpu.memory_space<vmem>>, %arg11: memref<1x128xf32, #tpu.memory_space<vmem>>, %arg12: memref<1600x640xf32, #tpu.memory_space<vmem>>, %arg13: memref<1600x640xf32, #tpu.memory_space<vmem>>) attributes {dimension_semantics = [#tpu.dimension_semantics<parallel>], iteration_bounds = array<i64: 200>, scalar_prefetch = 0 : i64, scratch_operands = 0 : i64, tpu.core_type = #tpu.core_type<tc>, window_params = [{transform_indices = @transform_0, window_bounds = array<i64: 1600, 1>}, {transform_indices = @transform_1, window_bounds = array<i64: 1600, 1>}, {transform_indices = @transform_2, window_bounds = array<i64: 1600, 1>}, {transform_indices = @transform_3, window_bounds = array<i64: 1600, 1>}, {transform_indices = @transform_4, window_bounds = array<i64: 1600, 1>}, {transform_indices = @transform_5, window_bounds = array<i64: 1600, 1>}, {transform_indices = @transform_6, window_bounds = array<i64: 1600, 128>}, {transform_indices = @transform_7, window_bounds = array<i64: 1600, 128>}, {transform_indices = @transform_8, window_bounds = array<i64: 1600, 128>}, {pipeline_mode = #tpu.pipeline_mode<synchronous>, transform_indices = @transform_9, window_bounds = array<i64: 1, 128>}, {pipeline_mode = #tpu.pipeline_mode<synchronous>, transform_indices = @transform_10, window_bounds = array<i64: 1, 128>}, {transform_indices = @transform_11, window_bounds = array<i64: 1600, 640>}, {transform_indices = @transform_12, window_bounds = array<i64: 1600, 640>}]} {
    %get3A = arith.constant 0 : index
    %get3A_0 = arith.constant 0 : index
    %get3A_1 = vector.load %arg1[%get3A, %get3A_0] : memref<1600x1xi32, #tpu.memory_space<vmem>>, vector<1600x1xi32>
    %convert_element_type3A = arith.sitofp %get3A_1 : vector<1600x1xi32> to vector<1600x1xf32>
    %get3A_2 = arith.constant 0 : index
    %get3A_3 = arith.constant 0 : index
    %get3A_4 = vector.load %arg2[%get3A_2, %get3A_3] : memref<1600x1xf32, #tpu.memory_space<vmem>>, vector<1600x1xf32>
    %get3A_5 = arith.constant 0 : index
    %get3A_6 = arith.constant 0 : index
    %get3A_7 = vector.load %arg3[%get3A_5, %get3A_6] : memref<1600x1xf32, #tpu.memory_space<vmem>>, vector<1600x1xf32>
    %get3A_8 = arith.constant 0 : index
    %get3A_9 = arith.constant 0 : index
    %get3A_10 = vector.load %arg4[%get3A_8, %get3A_9] : memref<1600x1xf32, #tpu.memory_space<vmem>>, vector<1600x1xf32>
    %get3A_11 = arith.constant 0 : index
    %get3A_12 = arith.constant 0 : index
    %get3A_13 = vector.load %arg10[%get3A_11, %get3A_12] : memref<1x128xf32, #tpu.memory_space<vmem>>, vector<1x128xf32>
    %get3A_14 = arith.constant 0 : index
    %get3A_15 = arith.constant 0 : index
    %get3A_16 = vector.load %arg11[%get3A_14, %get3A_15] : memref<1x128xf32, #tpu.memory_space<vmem>>, vector<1x128xf32>
    %get3A_17 = arith.constant 0 : index
    %get3A_18 = arith.constant 0 : index
    %get3A_19 = vector.load %arg7[%get3A_17, %get3A_18] : memref<1600x128xf32, #tpu.memory_space<vmem>>, vector<1600x128xf32>
    %mul3A = vector.broadcast %get3A_4 : vector<1600x1xf32> to vector<1600x128xf32>
    %mul3A_20 = arith.mulf %get3A_19, %mul3A : vector<1600x128xf32>
    %get3A_21 = arith.constant 0 : index
    %get3A_22 = arith.constant 0 : index
    %get3A_23 = vector.load %arg8[%get3A_21, %get3A_22] : memref<1600x128xf32, #tpu.memory_space<vmem>>, vector<1600x128xf32>
    %mul3A_24 = vector.broadcast %get3A_7 : vector<1600x1xf32> to vector<1600x128xf32>
    %mul3A_25 = arith.mulf %get3A_23, %mul3A_24 : vector<1600x128xf32>
    %get3A_26 = arith.constant 0 : index
    %get3A_27 = arith.constant 0 : index
    %get3A_28 = vector.load %arg9[%get3A_26, %get3A_27] : memref<1600x128xf32, #tpu.memory_space<vmem>>, vector<1600x128xf32>
    %get3A_29 = arith.constant 0 : index
    %get3A_30 = arith.constant 0 : index
    %get3A_31 = vector.load %arg5[%get3A_29, %get3A_30] : memref<1600x1xf32, #tpu.memory_space<vmem>>, vector<1600x1xf32>
    %mul3A_32 = arith.mulf %get3A_31, %get3A_7 : vector<1600x1xf32>
    %sub3A = arith.subf %get3A_10, %mul3A_32 : vector<1600x1xf32>
    %mul3A_33 = vector.broadcast %sub3A : vector<1600x1xf32> to vector<1600x128xf32>
    %mul3A_34 = vector.broadcast %get3A_13 : vector<1x128xf32> to vector<1600x128xf32>
    %mul3A_35 = arith.mulf %mul3A_33, %mul3A_34 : vector<1600x128xf32>
    %add3A = vector.broadcast %get3A_16 : vector<1x128xf32> to vector<1600x128xf32>
    %add3A_36 = arith.addf %mul3A_35, %add3A : vector<1600x128xf32>
    %mul3A_37 = arith.constant 0.159154937 : f32
    %mul3A_38 = vector.broadcast %mul3A_37 : f32 to vector<1600x128xf32>
    %mul3A_39 = arith.mulf %add3A_36, %mul3A_38 : vector<1600x128xf32>
    %add3A_40 = arith.constant 0x4B400000 : f32
    %add3A_41 = vector.broadcast %add3A_40 : f32 to vector<1600x128xf32>
    %add3A_42 = arith.addf %mul3A_39, %add3A_41 : vector<1600x128xf32>
    %sub3A_43 = arith.constant 0x4B400000 : f32
    %sub3A_44 = vector.broadcast %sub3A_43 : f32 to vector<1600x128xf32>
    %sub3A_45 = arith.subf %add3A_42, %sub3A_44 : vector<1600x128xf32>
    %mul3A_46 = arith.constant 6.281250e+00 : f32
    %mul3A_47 = vector.broadcast %mul3A_46 : f32 to vector<1600x128xf32>
    %mul3A_48 = arith.mulf %sub3A_45, %mul3A_47 : vector<1600x128xf32>
    %sub3A_49 = arith.subf %add3A_36, %mul3A_48 : vector<1600x128xf32>
    %mul3A_50 = arith.constant 0.00193530717 : f32
    %mul3A_51 = vector.broadcast %mul3A_50 : f32 to vector<1600x128xf32>
    %mul3A_52 = arith.mulf %sub3A_45, %mul3A_51 : vector<1600x128xf32>
    %sub3A_53 = arith.subf %sub3A_49, %mul3A_52 : vector<1600x128xf32>
    %mul3A_54 = arith.mulf %sub3A_53, %sub3A_53 : vector<1600x128xf32>
    %mul3A_55 = arith.constant 1.73691339E-9 : f32
    %mul3A_56 = vector.broadcast %mul3A_55 : f32 to vector<1600x128xf32>
    %mul3A_57 = arith.mulf %mul3A_56, %mul3A_54 : vector<1600x128xf32>
    %add3A_58 = arith.constant -2.71133729E-7 : f32
    %add3A_59 = vector.broadcast %add3A_58 : f32 to vector<1600x128xf32>
    %add3A_60 = arith.addf %mul3A_57, %add3A_59 : vector<1600x128xf32>
    %mul3A_61 = arith.mulf %add3A_60, %mul3A_54 : vector<1600x128xf32>
    %add3A_62 = arith.constant 2.47734242E-5 : f32
    %add3A_63 = vector.broadcast %add3A_62 : f32 to vector<1600x128xf32>
    %add3A_64 = arith.addf %mul3A_61, %add3A_63 : vector<1600x128xf32>
    %mul3A_65 = arith.mulf %add3A_64, %mul3A_54 : vector<1600x128xf32>
    %add3A_66 = arith.constant -0.00138879707 : f32
    %add3A_67 = vector.broadcast %add3A_66 : f32 to vector<1600x128xf32>
    %add3A_68 = arith.addf %mul3A_65, %add3A_67 : vector<1600x128xf32>
    %mul3A_69 = arith.mulf %add3A_68, %mul3A_54 : vector<1600x128xf32>
    %add3A_70 = arith.constant 0.0416665226 : f32
    %add3A_71 = vector.broadcast %add3A_70 : f32 to vector<1600x128xf32>
    %add3A_72 = arith.addf %mul3A_69, %add3A_71 : vector<1600x128xf32>
    %mul3A_73 = arith.mulf %add3A_72, %mul3A_54 : vector<1600x128xf32>
    %add3A_74 = arith.constant -0.499999911 : f32
    %add3A_75 = vector.broadcast %add3A_74 : f32 to vector<1600x128xf32>
    %add3A_76 = arith.addf %mul3A_73, %add3A_75 : vector<1600x128xf32>
    %mul3A_77 = arith.mulf %add3A_76, %mul3A_54 : vector<1600x128xf32>
    %add3A_78 = arith.constant 1.000000e+00 : f32
    %add3A_79 = vector.broadcast %add3A_78 : f32 to vector<1600x128xf32>
    %add3A_80 = arith.addf %mul3A_77, %add3A_79 : vector<1600x128xf32>
    %get3A_81 = arith.constant 0 : index
    %get3A_82 = arith.constant 0 : index
    %get3A_83 = vector.load %arg6[%get3A_81, %get3A_82] : memref<1600x1xf32, #tpu.memory_space<vmem>>, vector<1600x1xf32>
    %mul3A_84 = arith.mulf %get3A_83, %get3A_7 : vector<1600x1xf32>
    %sub3A_85 = arith.subf %get3A_10, %mul3A_84 : vector<1600x1xf32>
    %mul3A_86 = vector.broadcast %sub3A_85 : vector<1600x1xf32> to vector<1600x128xf32>
    %mul3A_87 = vector.broadcast %get3A_13 : vector<1x128xf32> to vector<1600x128xf32>
    %mul3A_88 = arith.mulf %mul3A_86, %mul3A_87 : vector<1600x128xf32>
    %add3A_89 = vector.broadcast %get3A_16 : vector<1x128xf32> to vector<1600x128xf32>
    %add3A_90 = arith.addf %mul3A_88, %add3A_89 : vector<1600x128xf32>
    %mul3A_91 = arith.constant 0.159154937 : f32
    %mul3A_92 = vector.broadcast %mul3A_91 : f32 to vector<1600x128xf32>
    %mul3A_93 = arith.mulf %add3A_90, %mul3A_92 : vector<1600x128xf32>
    %add3A_94 = arith.constant 0x4B400000 : f32
    %add3A_95 = vector.broadcast %add3A_94 : f32 to vector<1600x128xf32>
    %add3A_96 = arith.addf %mul3A_93, %add3A_95 : vector<1600x128xf32>
    %sub3A_97 = arith.constant 0x4B400000 : f32
    %sub3A_98 = vector.broadcast %sub3A_97 : f32 to vector<1600x128xf32>
    %sub3A_99 = arith.subf %add3A_96, %sub3A_98 : vector<1600x128xf32>
    %mul3A_100 = arith.constant 6.281250e+00 : f32
    %mul3A_101 = vector.broadcast %mul3A_100 : f32 to vector<1600x128xf32>
    %mul3A_102 = arith.mulf %sub3A_99, %mul3A_101 : vector<1600x128xf32>
    %sub3A_103 = arith.subf %add3A_90, %mul3A_102 : vector<1600x128xf32>
    %mul3A_104 = arith.constant 0.00193530717 : f32
    %mul3A_105 = vector.broadcast %mul3A_104 : f32 to vector<1600x128xf32>
    %mul3A_106 = arith.mulf %sub3A_99, %mul3A_105 : vector<1600x128xf32>
    %sub3A_107 = arith.subf %sub3A_103, %mul3A_106 : vector<1600x128xf32>
    %mul3A_108 = arith.mulf %sub3A_107, %sub3A_107 : vector<1600x128xf32>
    %mul3A_109 = arith.constant 1.73691339E-9 : f32
    %mul3A_110 = vector.broadcast %mul3A_109 : f32 to vector<1600x128xf32>
    %mul3A_111 = arith.mulf %mul3A_110, %mul3A_108 : vector<1600x128xf32>
    %add3A_112 = arith.constant -2.71133729E-7 : f32
    %add3A_113 = vector.broadcast %add3A_112 : f32 to vector<1600x128xf32>
    %add3A_114 = arith.addf %mul3A_111, %add3A_113 : vector<1600x128xf32>
    %mul3A_115 = arith.mulf %add3A_114, %mul3A_108 : vector<1600x128xf32>
    %add3A_116 = arith.constant 2.47734242E-5 : f32
    %add3A_117 = vector.broadcast %add3A_116 : f32 to vector<1600x128xf32>
    %add3A_118 = arith.addf %mul3A_115, %add3A_117 : vector<1600x128xf32>
    %mul3A_119 = arith.mulf %add3A_118, %mul3A_108 : vector<1600x128xf32>
    %add3A_120 = arith.constant -0.00138879707 : f32
    %add3A_121 = vector.broadcast %add3A_120 : f32 to vector<1600x128xf32>
    %add3A_122 = arith.addf %mul3A_119, %add3A_121 : vector<1600x128xf32>
    %mul3A_123 = arith.mulf %add3A_122, %mul3A_108 : vector<1600x128xf32>
    %add3A_124 = arith.constant 0.0416665226 : f32
    %add3A_125 = vector.broadcast %add3A_124 : f32 to vector<1600x128xf32>
    %add3A_126 = arith.addf %mul3A_123, %add3A_125 : vector<1600x128xf32>
    %mul3A_127 = arith.mulf %add3A_126, %mul3A_108 : vector<1600x128xf32>
    %add3A_128 = arith.constant -0.499999911 : f32
    %add3A_129 = vector.broadcast %add3A_128 : f32 to vector<1600x128xf32>
    %add3A_130 = arith.addf %mul3A_127, %add3A_129 : vector<1600x128xf32>
    %mul3A_131 = arith.mulf %add3A_130, %mul3A_108 : vector<1600x128xf32>
    %add3A_132 = arith.constant 1.000000e+00 : f32
    %add3A_133 = vector.broadcast %add3A_132 : f32 to vector<1600x128xf32>
    %add3A_134 = arith.addf %mul3A_131, %add3A_133 : vector<1600x128xf32>
    %broadcast_in_dim3A = vector.shape_cast %convert_element_type3A : vector<1600x1xf32> to vector<1600x1xf32>
    %broadcast_in_dim3A_135 = vector.broadcast %broadcast_in_dim3A : vector<1600x1xf32> to vector<1600x128xf32>
    %swap3A = arith.constant 0 : index
    %swap3A_136 = arith.constant 0 : index
    %swap3A_137 = vector.load %arg12[%swap3A, %swap3A_136] : memref<1600x640xf32, #tpu.memory_space<vmem>>, vector<1600x128xf32>
    tpu.vector_store %arg12[%swap3A, %swap3A_136], %broadcast_in_dim3A_135 {strides = array<i32>} : memref<1600x640xf32, #tpu.memory_space<vmem>>, vector<1600x128xf32>,
    %swap3A_138 = arith.constant 0 : index
    %swap3A_139 = arith.constant 128 : index
    %swap3A_140 = vector.load %arg12[%swap3A_138, %swap3A_139] : memref<1600x640xf32, #tpu.memory_space<vmem>>, vector<1600x128xf32>
    tpu.vector_store %arg12[%swap3A_138, %swap3A_139], %mul3A_20 {strides = array<i32>} : memref<1600x640xf32, #tpu.memory_space<vmem>>, vector<1600x128xf32>,
    %swap3A_141 = arith.constant 0 : index
    %swap3A_142 = arith.constant 256 : index
    %swap3A_143 = vector.load %arg12[%swap3A_141, %swap3A_142] : memref<1600x640xf32, #tpu.memory_space<vmem>>, vector<1600x128xf32>
    tpu.vector_store %arg12[%swap3A_141, %swap3A_142], %mul3A_25 {strides = array<i32>} : memref<1600x640xf32, #tpu.memory_space<vmem>>, vector<1600x128xf32>,
    %swap3A_144 = arith.constant 0 : index
    %swap3A_145 = arith.constant 384 : index
    %swap3A_146 = vector.load %arg12[%swap3A_144, %swap3A_145] : memref<1600x640xf32, #tpu.memory_space<vmem>>, vector<1600x128xf32>
    tpu.vector_store %arg12[%swap3A_144, %swap3A_145], %add3A_80 {strides = array<i32>} : memref<1600x640xf32, #tpu.memory_space<vmem>>, vector<1600x128xf32>,
    %swap3A_147 = arith.constant 0 : index
    %swap3A_148 = arith.constant 512 : index
    %swap3A_149 = vector.load %arg12[%swap3A_147, %swap3A_148] : memref<1600x640xf32, #tpu.memory_space<vmem>>, vector<1600x128xf32>
    tpu.vector_store %arg12[%swap3A_147, %swap3A_148], %get3A_28 {strides = array<i32>} : memref<1600x640xf32, #tpu.memory_space<vmem>>, vector<1600x128xf32>,
    %swap3A_150 = arith.constant 0 : index
    %swap3A_151 = arith.constant 0 : index
    %swap3A_152 = vector.load %arg13[%swap3A_150, %swap3A_151] : memref<1600x640xf32, #tpu.memory_space<vmem>>, vector<1600x128xf32>
    tpu.vector_store %arg13[%swap3A_150, %swap3A_151], %broadcast_in_dim3A_135 {strides = array<i32>} : memref<1600x640xf32, #tpu.memory_space<vmem>>, vector<1600x128xf32>,
    %swap3A_153 = arith.constant 0 : index
    %swap3A_154 = arith.constant 128 : index
    %swap3A_155 = vector.load %arg13[%swap3A_153, %swap3A_154] : memref<1600x640xf32, #tpu.memory_space<vmem>>, vector<1600x128xf32>
    tpu.vector_store %arg13[%swap3A_153, %swap3A_154], %mul3A_25 {strides = array<i32>} : memref<1600x640xf32, #tpu.memory_space<vmem>>, vector<1600x128xf32>,
    %swap3A_156 = arith.constant 0 : index
    %swap3A_157 = arith.constant 256 : index
    %swap3A_158 = vector.load %arg13[%swap3A_156, %swap3A_157] : memref<1600x640xf32, #tpu.memory_space<vmem>>, vector<1600x128xf32>
    tpu.vector_store %arg13[%swap3A_156, %swap3A_157], %mul3A_20 {strides = array<i32>} : memref<1600x640xf32, #tpu.memory_space<vmem>>, vector<1600x128xf32>,
    %swap3A_159 = arith.constant 0 : index
    %swap3A_160 = arith.constant 384 : index
    %swap3A_161 = vector.load %arg13[%swap3A_159, %swap3A_160] : memref<1600x640xf32, #tpu.memory_space<vmem>>, vector<1600x128xf32>
    tpu.vector_store %arg13[%swap3A_159, %swap3A_160], %add3A_134 {strides = array<i32>} : memref<1600x640xf32, #tpu.memory_space<vmem>>, vector<1600x128xf32>,
    %swap3A_162 = arith.constant 0 : index
    %swap3A_163 = arith.constant 512 : index
    %swap3A_164 = vector.load %arg13[%swap3A_162, %swap3A_163] : memref<1600x640xf32, #tpu.memory_space<vmem>>, vector<1600x128xf32>
    tpu.vector_store %arg13[%swap3A_162, %swap3A_163], %get3A_28 {strides = array<i32>} : memref<1600x640xf32, #tpu.memory_space<vmem>>, vector<1600x128xf32>,
    return
  }
  func.func @transform_0(%arg0: i32) -> (i32, i32) {
    %add3A = arith.constant 0 : i32
    %add3A_0 = arith.addi %add3A, %arg0 : i32
    %c0_i32 = arith.constant 0 : i32
    %c0_i32_1 = arith.constant 0 : i32
    return %add3A_0, %c0_i32 : i32, i32
  }
  func.func @transform_1(%arg0: i32) -> (i32, i32) {
    %add3A = arith.constant 0 : i32
    %add3A_0 = arith.addi %add3A, %arg0 : i32
    %c0_i32 = arith.constant 0 : i32
    %c0_i32_1 = arith.constant 0 : i32
    return %add3A_0, %c0_i32 : i32, i32
  }
  func.func @transform_2(%arg0: i32) -> (i32, i32) {
    %add3A = arith.constant 0 : i32
    %add3A_0 = arith.addi %add3A, %arg0 : i32
    %c0_i32 = arith.constant 0 : i32
    %c0_i32_1 = arith.constant 0 : i32
    return %add3A_0, %c0_i32 : i32, i32
  }
  func.func @transform_3(%arg0: i32) -> (i32, i32) {
    %add3A = arith.constant 0 : i32
    %add3A_0 = arith.addi %add3A, %arg0 : i32
    %c0_i32 = arith.constant 0 : i32
    %c0_i32_1 = arith.constant 0 : i32
    return %add3A_0, %c0_i32 : i32, i32
  }
  func.func @transform_4(%arg0: i32) -> (i32, i32) {
    %c0_i32 = arith.constant 0 : i32
    %c0_i32_0 = arith.constant 0 : i32
    return %arg0, %c0_i32 : i32, i32
  }
  func.func @transform_5(%arg0: i32) -> (i32, i32) {
    %c0_i32 = arith.constant 0 : i32
    %c0_i32_0 = arith.constant 0 : i32
    return %arg0, %c0_i32 : i32, i32
  }
  func.func @transform_6(%arg0: i32) -> (i32, i32) {
    %c0_i32 = arith.constant 0 : i32
    %c0_i32_0 = arith.constant 0 : i32
    return %arg0, %c0_i32 : i32, i32
  }
  func.func @transform_7(%arg0: i32) -> (i32, i32) {
    %c0_i32 = arith.constant 0 : i32
    %c0_i32_0 = arith.constant 0 : i32
    return %arg0, %c0_i32 : i32, i32
  }
  func.func @transform_8(%arg0: i32) -> (i32, i32) {
    %add3A = arith.constant 0 : i32
    %add3A_0 = arith.addi %add3A, %arg0 : i32
    %c0_i32 = arith.constant 0 : i32
    %c0_i32_1 = arith.constant 0 : i32
    return %add3A_0, %c0_i32 : i32, i32
  }
  func.func @transform_9(%arg0: i32) -> (i32, i32) {
    %c0_i32 = arith.constant 0 : i32
    %c0_i32_0 = arith.constant 0 : i32
    %c0_i32_1 = arith.constant 0 : i32
    return %c0_i32, %c0_i32_0 : i32, i32
  }
  func.func @transform_10(%arg0: i32) -> (i32, i32) {
    %c0_i32 = arith.constant 0 : i32
    %c0_i32_0 = arith.constant 0 : i32
    %c0_i32_1 = arith.constant 0 : i32
    return %c0_i32, %c0_i32_0 : i32, i32
  }
  func.func @transform_11(%arg0: i32) -> (i32, i32) {
    %add3A = arith.constant 0 : i32
    %add3A_0 = arith.addi %add3A, %arg0 : i32
    %c0_i32 = arith.constant 0 : i32
    %c0_i32_1 = arith.constant 0 : i32
    return %add3A_0, %c0_i32 : i32, i32
  }
  func.func @transform_12(%arg0: i32) -> (i32, i32) {
    %add3A = arith.constant 0 : i32
    %add3A_0 = arith.addi %add3A, %arg0 : i32
    %c0_i32 = arith.constant 0 : i32
    %c0_i32_1 = arith.constant 0 : i32
    return %add3A_0, %c0_i32 : i32, i32
  }
}

</mosaic_0001>

<sc_bundles>
// kernel: kernel.4.cloned.1.call-start
scs
__scs_entry_jumppad:
0x0: {  	(pc) =	sbr.rel $0x88, $3  }
0x1: {  	(tag) =	ssettag $0x0;
	lr =	simm.s32 $0x1  }
0x2: {  	[smem:$0x3F96] =	sst lr;
	_ =	strace $0xD0000000  }
0x3: {  	_ = 	snop  }
0x4: {  	_ = 	snop  }
0x5: {  	_ = 	snop  }
0x6: {  	_ = 	snop  }
0x7: {  	_ = 	snop  }
__scs_overlays_trampoline_lowered:
0x8: {  	[smem:$0x3FA5] =	sst s0  }
0x9: {  	[smem:$0x3FA6] =	sst s1  }
0xa: {  	[smem:$0x3FA7] =	sst s2  }
0xb: {  	[smem:$0x3FA8] =	sst s3  }
0xc: {  	[smem:$0x3FA9] =	sst s4  }
0xd: {  	[smem:$0x3FAA] =	sst s5  }
0xe: {  	[smem:$0x3FAB] =	sst s6  }
0xf: {  	[smem:$0x3FAC] =	sst s7  }
0x10: {  	[smem:$0x3FAD] =	sst s8  }
0x11: {  	[smem:$0x3FAE] =	sst s9;
	s0 =	simm.s32 @!p0 $0x0  }
0x12: {  	s1 =	sld [smem:$0x3F94];
	s0 =	simm.s32 @p0 $0x1  }
0x13: {  	[smem:$0x3FAF] =	sst s0;
	s0 =	simm.s32 @!p1 $0x0  }
0x14: {  	s2 =	sld [smem:$0x3F93];
	s0 =	simm.s32 @p1 $0x1  }
0x15: {  	[smem:$0x3FB0] =	sst s0;
	s0 =	simm.s32 @!p2 $0x0  }
0x16: {  	s3 =	sld [smem:$0x3FDB];
	s0 =	simm.s32 @p2 $0x1  }
0x17: {  	s4 =	simm.s32 $0x1BF5;
	[smem:$0x3FB2] =	sst s0  }
0x18: {  	s0 =	sld [smem:$0x3F95];
	_ =	swait.ge [sflag:s4], $0x0  }
0x19: {  	s7 =	sld [smem:$0x3F96]  }
0x1a: {  	s8 =	sadd.s32 $0xFFFFE003, lr  }
0x1b: {  	s9 =	sadd.s32 $0xFFFFFEF7, lr;
	s5 =	simm.s32 $0xFFFFFFFF;
	p2 =	slt.u32 s8, $0xFFFFF086  }
0x1c: {  	p1 =	slt.u32 s9, $0xF7A;
	s5 =	simm.s32 @!p2 $0x0  }
0x1d: {  	s5 =	simm.s32 @p1 $0x1;
	p0 =	seq.s32 s7, s2  }
0x1e: {  	s7 =	smul.u32 @!p0 $0xF7A, s2;
	p2 =	seq.s32 @!p0 s5, $0x0  }
0x1f: {  	s9 =	smul.u32 $0xF7A, s1;
	s8 =	simm.s32 @!p0 $0x1BF5;
	p2 =	por !p2, p0  }
0x20: {  	[sflag:s8] =	ssyncset.s32 @!p0 $0xFFFFF086;
	s6 =	sadd.s32 @!p0 s3, s7;
	s7 =	simm.s32 @!p0 $0x108  }
0x21: {  	s3 =	sadd.s32 s3, s9;
	s6 =	sadd.s32 @!p0 $0x88, s6;
	s7 =	simm.s32 @p2 $0x1082  }
0x22: {  	[simem:s7], [sflag:s8] =	dma.local @!p0 [hbm:s6], $0xF7A  }
0x23: {  	s9 =	sor.u32 $0xD0000000, s2;
	s6 =	simm.s32 $0x108;
	_ =	swait.ge @!p0 [sflag:s8], $0x0  }
0x24: {  	s3 =	sadd.s32 $0x88, s3;
	s6 =	simm.s32 @!p1 $0x1082;
	[sflag:s4] =	ssyncset.s32 $0xFFFFF086  }
0x25: {  	[simem:s6], [sflag:s4] =	dma.local [hbm:s3], $0xF7A  }
0x26: {  	[smem:$0x3F96] =	sst s1;
	(tag) =	ssettag s2;
	_ =	strace s9  }
0x27: {  	s1 =	sld [smem:$0x3FA6]  }
0x28: {  	s2 =	sld [smem:$0x3FA7]  }
0x29: {  	s4 =	sld [smem:$0x3FA9]  }
0x2a: {  	p0 =	seq.s32 s5, $0x0;
	s5 =	sld [smem:$0x3FAA]  }
0x2b: {  	s6 =	sld [smem:$0x3FAB]  }
0x2c: {  	s7 =	sld [smem:$0x3FAC]  }
0x2d: {  	s3 =	simm.s32 $0x108;
	s8 =	sld [smem:$0x3FAD]  }
0x2e: {  	s3 =	simm.s32 @!p0 $0x1082;
	s9 =	sld [smem:$0x3FAE]  }
0x2f: {  	lr =	sadd.s32 s0, s3;
	s0 =	sld [smem:$0x3FA5]  }
0x30: {  	s3 =	sld [smem:$0x3FA8]  }
0x31: {  	[smem:$0x3FB1] =	sst s10  }
0x32: {  	s10 =	sld [smem:$0x3FAF];
	_ =	sdelay $0x3  }
0x33: {  	p0 =	seq.s32 s10, $0x1;
	s10 =	sld [smem:$0x3FB1];
	_ =	sdelay $0x3  }
0x34: {  	[smem:$0x3FB1] =	sst s10  }
0x35: {  	s10 =	sld [smem:$0x3FB0];
	_ =	sdelay $0x3  }
0x36: {  	p1 =	seq.s32 s10, $0x1;
	s10 =	sld [smem:$0x3FB1];
	_ =	sdelay $0x3  }
0x37: {  	[smem:$0x3FB1] =	sst s10  }
0x38: {  	s10 =	sld [smem:$0x3FB2]  }
0x39: {  	_ = 	snop;
	(pc) =	sbr.ind lr, $3  }
0x3a: {  	_ = 	snop  }
0x3b: {  	_ = 	snop  }
0x3c: {  	p2 =	seq.s32 s10, $0x1;
	s10 =	sld [smem:$0x3FB1]  }
0x3d: {  	_ =	shalt  }
0x3e: {  	_ =	shalt  }
0x3f: {  	_ =	shalt  }
0x40: {  	_ =	shalt  }
0x41: {  	_ =	shalt  }
0x42: {  	_ =	shalt  }
0x43: {  	_ =	shalt  }
0x44: {  	_ =	shalt  }
0x45: {  	_ =	shalt  }
0x46: {  	_ =	shalt  }
0x47: {  	_ =	shalt  }
0x48: {  	_ =	shalt  }
0x49: {  	_ =	shalt  }
0x4a: {  	_ =	shalt  }
0x4b: {  	_ =	shalt  }
0x4c: {  	_ =	shalt  }
0x4d: {  	_ =	shalt  }
0x4e: {  	_ =	shalt  }
0x4f: {  	_ =	shalt  }
0x50: {  	_ =	shalt  }
0x51: {  	_ =	shalt  }
0x52: {  	_ =	shalt  }
0x53: {  	_ =	shalt  }
0x54: {  	_ =	shalt  }
0x55: {  	_ =	shalt  }
0x56: {  	_ =	shalt  }
0x57: {  	_ =	shalt  }
0x58: {  	_ =	shalt  }
0x59: {  	_ =	shalt  }
0x5a: {  	_ =	shalt  }
0x5b: {  	_ =	shalt  }
0x5c: {  	_ =	shalt  }
0x5d: {  	_ =	shalt  }
0x5e: {  	_ =	shalt  }
0x5f: {  	_ =	shalt  }
0x60: {  	_ =	shalt  }
0x61: {  	_ =	shalt  }
0x62: {  	_ =	shalt  }
0x63: {  	_ =	shalt  }
0x64: {  	_ =	shalt  }
0x65: {  	_ =	shalt  }
0x66: {  	_ =	shalt  }
0x67: {  	_ =	shalt  }
0x68: {  	_ =	shalt  }
0x69: {  	_ =	shalt  }
0x6a: {  	_ =	shalt  }
0x6b: {  	_ =	shalt  }
0x6c: {  	_ =	shalt  }
0x6d: {  	_ =	shalt  }
0x6e: {  	_ =	shalt  }
0x6f: {  	_ =	shalt  }
0x70: {  	_ =	shalt  }
0x71: {  	_ =	shalt  }
0x72: {  	_ =	shalt  }
0x73: {  	_ =	shalt  }
0x74: {  	_ =	shalt  }
0x75: {  	_ =	shalt  }
0x76: {  	_ =	shalt  }
0x77: {  	_ =	shalt  }
0x78: {  	_ =	shalt  }
0x79: {  	_ =	shalt  }
0x7a: {  	_ =	shalt  }
0x7b: {  	_ =	shalt  }
0x7c: {  	_ =	shalt  }
0x7d: {  	_ =	shalt  }
0x7e: {  	_ =	shalt  }
0x7f: {  	_ =	shalt  }
0x80: {  	_ =	shalt  }
0x81: {  	_ =	shalt  }
0x82: {  	_ =	shalt  }
0x83: {  	_ =	shalt  }
0x84: {  	_ =	shalt  }
0x85: {  	_ =	shalt  }
0x86: {  	_ =	shalt  }
0x87: {  	_ =	shalt  }
.Lfunc_end0:
.L_simem_size_0:
called_computation_lowered:
.L_overlay_start_0:
0x88: {  	s2 =	sld [smem:$0x3FD9]  }
0x89: {  	s3 =	sld [smem:$0x3FFE];
	_ =	sdelay $0x1  }
0x8a: {  	s1 =	srdreg.scid  }
0x8b: {  	s0 =	sand.u32 $0x1, s1  }
0x8c: {  	s14 =	sshll.u32 s0, $0xA;
	s2 =	sadd.s32 s3, s2  }
0x8d: {  	s2 =	sadd.s32 s2, s14  }
0x8e: {  	[smem:$0x3FBD] =	sst s2  }
0x8f: {  	_ = 	snop  }
0x90: {  	s2 =	sld [smem:$0x3FC8]  }
0x91: {  	s15 =	sld [smem:$0x3FD0]  }
0x92: {  	s4 =	sld [smem:$0x3FC6]  }
0x93: {  	s5 =	sld [smem:$0x3FC2]  }
0x94: {  	s7 =	simm.s32 $0xA;
	s8 =	simm.s32 $0x10;
	s6 =	sld [smem:$0x3FC1]  }
0x95: {  	[smem:s8], [sflag:s7] =	dma.local [hbm:s15], $0x1  }
0x96: {  	_ =	swait.eq [sflag:s7], $0x1  }
0x97: {  	[sflag:s7] =	ssyncset.done $0x0  }
0x98: {  	s16 =	sld [smem:$0x10];
	[sflag:s7] =	ssyncadd.s32 $0xFFFFFFFF  }
0x99: {  	s17 =	sld [smem:$0x11];
	(tm) =	ssettm $0x1  }
0x9a: {  	s18 =	sld [smem:$0x3FFB];
	_ =	sdelay $0x3  }
0x9b: {  	_ =	strace s18  }
0x9c: {  	s8 =	sld [smem:$0x3FFC];
	_ =	sdelay $0x3  }
0x9d: {  	_ =	strace s8  }
0x9e: {  	s8 =	sld [smem:$0x3FFD];
	_ =	sdelay $0x3  }
0x9f: {  	_ =	strace s8  }
0xa0: {  	_ =	strace $0x8FFFFFFF  }
0xa1: {  	s19 =	sld [smem:$0x3FDB];
	_ =	sdelay $0x1  }
0xa2: {  	s9 =	simm.s32 $_scs_section_size  }
0xa3: {  	s10 =	simm.s32 $_size__tile_overlayer_lowered;
	s11 =	simm.s32 $_tile_overlayer_lowered  }
0xa4: {  	s22 =	simm.s32 $0x1BFF;
	s21 =	sshll.u32 s11, $0x1;
	s8 =	sadd.s32 s9, s19  }
0xa5: {  	s12 =	simm.s32 $0x0;
	s20 =	sshll.u32 s10, $0x1;
	s10 =	sadd.s32 s21, s8  }
0xa6: {  	[timem:s12], [sflag:s22] =	dma.local [hbm:s10], s20  }
0xa7: {  	_ =	swait.ge [sflag:s22], s20  }
0xa8: {  	s9 =	ssub.s32 $0x0, s20;
	[sflag:s22] =	ssyncset.done $0x0  }
0xa9: {  	[sflag:s22] =	ssyncadd.s32 s9;
	_ =	sdelay $0x1  }
0xaa: {  	s23 =	simm.s32 $0x1B8B  }
0xab: {  	_ =	swait.ge [sflag:s23], $0x1  }
0xac: {  	[sflag:s23] =	ssyncset.done $0x0  }
0xad: {  	s25 =	simm.s32 $0x1B8E;
	s24 =	sld [smem:$0x3FFE];
	[sflag:s23] =	ssyncadd.s32 $0xFFFFFFFF  }
0xae: {  	s26 =	simm.s32 $execute0_lowered;
	[smem:$0x3FD2] =	sst s25  }
0xaf: {  	s10 =	sshll.u32 s26, $0x1;
	_ =	strace $0x80000046;
	[dreg:$0x1] =	wrdreg $0xFFFFFFFF  }
0xb0: {  	s28 =	simm.s32 $_size_execute0_lowered;
	s8 =	sadd.s32 s8, s10;
	[dreg:$0x0] =	wrdreg $0x0  }
0xb1: {  	s10 =	sshll.u32 s28, $0x1;
	[dreg:$0x2] =	wrdreg s8  }
0xb2: {  	[dreg:$0x3] =	wrdreg s10  }
0xb3: {  	[dreg:$0x4] =	wrdreg $0xC0  }
0xb4: {  	_ =	task [dreg:s12], $0x5FFFF  }
0xb5: {  	[dreg:$0x1] =	wrdreg $0xFFFFFFFF  }
0xb6: {  	[dreg:$0x0] =	wrdreg $0x60  }
0xb7: {  	[dreg:$0x2] =	wrdreg s5  }
0xb8: {  	[dreg:$0x3] =	wrdreg s6  }
0xb9: {  	[dreg:$0x4] =	wrdreg s2  }
0xba: {  	[dreg:$0x5] =	wrdreg s4  }
0xbb: {  	[dreg:$0x6] =	wrdreg s24  }
0xbc: {  	[dreg:$0x7] =	wrdreg s17  }
0xbd: {  	[dreg:$0x8] =	wrdreg s16  }
0xbe: {  	[dreg:$0x9] =	wrdreg $0x9  }
0xbf: {  	_ =	task.clear_ibuf [dreg:s12], $0xAFFFF;
	_ =	strace $0x90000046  }
0xc0: {  	s29 =	simm.s32 $0x9;
	_ =	strace $0x80000048  }
0xc1: {  	_ =	swait.ge [sflag:s29], $0x1  }
0xc2: {  	[sflag:s29] =	ssyncadd.s32 $0xFFFFFFFF  }
0xc3: {  	_ =	strace $0x90000048  }
0xc4: {  	_ =	sfence  }
0xc5: {  	s30 =	sld [smem:$0x0];
	_ =	sdelay $0x2  }
0xc6: {  	s31 =	sshll.u32 s1, $0xD;
	s1 =	sshrl.u32 s1, $0x2  }
0xc7: {  	s3 =	sand.u32 $0x4000, s31;
	s1 =	sadd.s32 s1, s30  }
0xc8: {  	s0 =	sor.u32 s3, s0;
	s1 =	sshll.u32 s1, $0x11  }
0xc9: {  	s0 =	sor.u32 s1, s0  }
0xca: {  	s0 =	sadd.s32 $0x8F2B, s0  }
0xcb: {  	[sflag:s0] =	ssyncadd.remote.s32 $0x1  }
0xcc: {  	_ =	sfence.sel $0xFFFF  }
0xcd: {  	[dreg:$0x0] =	wrdreg $0xFFFFFFFF;
	(pc) =	sbr.abs _section_cstart, $3  }
0xce: {  	[dreg:$0x1] =	wrdreg $0xFFFFFFFF  }
0xcf: {  	_ =	task.clear_ibuf [dreg:s12], $0x2FFFF;
	_ =	strace $0x9FFFFFFF  }
0xd0: {  	(tm) =	ssettm $0x7FFFFFFF  }
0xd1: {  	_ =	shalt  }
tec
execute0_lowered:
.L_overlay_start_1:
0x0: {  	(tag) =	ssettag $0x1  }
0x1: {  	s0 =	rddreg [dreg:$0x0]  }
0x2: {  	s2 =	rddreg [dreg:$0x1]  }
0x3: {  	s9 =	rddreg [dreg:$0x2]  }
0x4: {  	s10 =	rddreg [dreg:$0x3]  }
0x5: {  	s5 =	rddreg [dreg:$0x4]  }
0x6: {  	s6 =	rddreg [dreg:$0x5]  }
0x7: {  	s7 =	rddreg [dreg:$0x6]  }
0x8: {  	s1 =	rddreg [dreg:$0x7];
	s8 =	srdreg.scid;
	s4 =	simm.s32 $0x0  }
0x9: {  	s3 =	stileid.u32;
	s16 =	simm.s32 $0x80;
	s17 =	simm.s32 $0x100  }
0xa: {  	s18 =	simm.s32 $0x4100;
	s19 =	simm.s32 $0x1;
	s20 =	simm.s32 $0x8100  }
0xb: {  	s21 =	simm.s32 $0x8180;
	s22 =	simm.s32 $0x0;
	s11 =	sand.u32 $0x1, s8  }
0xc: {  	[smem:$0x7FF] =	sst s4;
	s26 =	sshll.u32 s3, $0xC;
	s30 =	sshll.u32 s3, $0x5  }
0xd: {  	s12 =	ssub.s32 $0x2, s11;
	_ =	strace $0x80000047;
	s13 =	sadd.s32 s26, s5  }
0xe: {  	s5 =	sshll.u32 s3, $0x1;
	s7 =	sadd.s32 s30, s7;
	s14 =	sshll.u32 s11, $0x4  }
0xf: {  	s15 =	sadd.s32 s30, s6;
	s10 =	sadd.s32 s30, s10;
	s11 =	sshll.u32 s11, $0xB  }
.Ltmp0:
0x10: {  	s28 =	sshrl.u32 s12, $0x1;
	s7 =	sadd.s32 s14, s7;
	(pc) =	sbr.rel .LBB2_1-.Ltmp0, $4  }
0x11: {  	s8 =	sadd.s32 s14, s15;
	s31 =	sadd.s32 s11, s13;
	s13 =	simm.s32 $0x8200  }
0x12: {  	s15 =	simm.s32 $0x3;
	s29 =	ssub.s32 s12, s28;
	s12 =	sadd.s32 s30, s9  }
0x13: {  	s9 =	sadd.s32 s14, s10;
	s11 =	sadd.s32 $0x4E3400, s31;
	s6 =	smax.u32 s29, $0x1  }
0x14: {  	s10 =	sadd.s32 s14, s12;
	s12 =	sadd.s32 $0x1400, s31;
	s14 =	simm.s32 $0x2  }
.LBB2_5:
0x15: {  	s22 =	sadd.s32 $0x1, s22  }
0x16: {  	p0 =	sne.s32 s22, s6  }
.Ltmp1:
0x17: {  	_ = 	snop;
	(pc) =	sbr.rel @!p0 .LBB2_6-.Ltmp1, $1  }
0x18: {  	_ =	sdelay $0x3  }
.LBB2_1:
.Ltmp2:
0x19: {  	(pc) =	sbr.rel .LBB2_2-.Ltmp2, $4  }
0x1a: {  	[tilespmem:s13], [sflag:$0x2] =	stream.linear.gather [hbm4b:s2+s4], $0x2780, $0x38;
	[tilespmem:$0xA980] =	vst v63  }
0x1b: {  	_ =	swait.ge [sflag:s14], $0x2780  }
0x1c: {  	s23 =	smov.u32 s5;
	s24 =	smov.u32 s12;
	[sflag:s14] =	ssyncset.done $0x0  }
0x1d: {  	s25 =	smov.u32 s11;
	s26 =	simm.s32 $0x0;
	[sflag:s14] =	ssyncadd.s32 $0xFFFFD880  }
.LBB2_4:
0x1e: {  	s26 =	sadd.s32 $0x200, s26  }
0x1f: {  	p0 =	sne.s32 s26, $0x9E00  }
.Ltmp3:
0x20: {  	_ = 	snop;
	(pc) =	sbr.rel @!p0 .LBB2_5-.Ltmp3, $2  }
0x21: {  	_ =	sdelay $0x2  }
0x22: {  	s25 =	sadd.s32 $0x10000, s25;
	s24 =	sadd.s32 $0x10000, s24;
	s23 =	sadd.s32 $0x20, s23  }
.LBB2_2:
0x23: {  	p0 =	sgt.u32 s23, $0x9C3  }
.Ltmp4:
0x24: {  	_ = 	snop;
	(pc) =	sbr.rel @p0 .LBB2_4-.Ltmp4, $1  }
0x25: {  	_ =	sdelay $0x3  }
0x26: {  	s28 =	sadd.s32 s26, s10  }
0x27: {  	[tilespmem:s4], [sflag:$0x3] =	stream.linear.gather [hbm4b:s28+s4], $0x80, $0x38;
	[tilespmem:$0xA980] =	vst v63  }
0x28: {  	_ =	swait.ge [sflag:s15], $0x80  }
0x29: {  	[sflag:s15] =	ssyncset.done $0x0  }
0x2a: {  	s29 =	sadd.s32 s26, s9;
	[sflag:s15] =	ssyncadd.s32 $0xFFFFFF80  }
0x2b: {  	[tilespmem:s16], [sflag:$0x3] =	stream.linear.gather [hbm4b:s29+s4], $0x80, $0x38;
	[tilespmem:$0xA980] =	vst v63  }
0x2c: {  	_ =	swait.ge [sflag:s15], $0x80  }
0x2d: {  	[sflag:s15] =	ssyncset.done $0x0  }
0x2e: {  	[sflag:s15] =	ssyncadd.s32 $0xFFFFFF80  }
0x2f: {  	[tilespmem:s17], [sflag:$0x1] =	stream.indirect.gather [hbm4b:s0+s16], $0x80, s4, s16, $0xb8;
	[tilespmem:$0xA980] =	vst v63  }
0x30: {  	_ = 	snop  }
0x31: {  	[tilespmem:s18], [sflag:$0x1] =	stream.indirect.gather [hbm4b:s0+s16], $0x80, s16, s16, $0xb8;
	[tilespmem:$0xA980] =	vst v63  }
0x32: {  	v0 =	vld [tilespmem:$0x0];
	_ =	sdelay $0x5  }
0x33: {  	v1 =	vld [tilespmem:$0x80];
	_ =	sdelay $0x1  }
0x34: {  	v0 =	vld.idx.msk [tilespmem:v0+s13+$0x0], $0xffff;
	_ =	sdelay $0x3  }
0x35: {  	v2 =	vld [tilespmem:$0x10]  }
0x36: {  	[tilespmem:$0x8100] =	vst v0  }
0x37: {  	v0 =	vld.idx.msk [tilespmem:v1+s13+$0x0], $0xffff;
	_ =	sdelay $0x3  }
0x38: {  	v51 =	vld [tilespmem:$0x90]  }
0x39: {  	[tilespmem:$0x8180] =	vst v0  }
0x3a: {  	v0 =	vld.idx.msk [tilespmem:v2+s13+$0x0], $0xffff;
	_ =	sdelay $0x3  }
0x3b: {  	v52 =	vld [tilespmem:$0x20]  }
0x3c: {  	[tilespmem:$0x8110] =	vst v0  }
0x3d: {  	v0 =	vld.idx.msk [tilespmem:v51+s13+$0x0], $0xffff;
	_ =	sdelay $0x3  }
0x3e: {  	v53 =	vld [tilespmem:$0xA0]  }
0x3f: {  	[tilespmem:$0x8190] =	vst v0  }
0x40: {  	v0 =	vld.idx.msk [tilespmem:v52+s13+$0x0], $0xffff;
	_ =	sdelay $0x3  }
0x41: {  	v54 =	vld [tilespmem:$0x30]  }
0x42: {  	[tilespmem:$0x8120] =	vst v0  }
0x43: {  	v0 =	vld.idx.msk [tilespmem:v53+s13+$0x0], $0xffff;
	_ =	sdelay $0x3  }
0x44: {  	v55 =	vld [tilespmem:$0xB0]  }
0x45: {  	[tilespmem:$0x81A0] =	vst v0  }
0x46: {  	v0 =	vld.idx.msk [tilespmem:v54+s13+$0x0], $0xffff;
	_ =	sdelay $0x3  }
0x47: {  	v56 =	vld [tilespmem:$0x40]  }
0x48: {  	[tilespmem:$0x8130] =	vst v0  }
0x49: {  	v0 =	vld.idx.msk [tilespmem:v55+s13+$0x0], $0xffff;
	_ =	sdelay $0x3  }
0x4a: {  	v57 =	vld [tilespmem:$0xC0]  }
0x4b: {  	[tilespmem:$0x81B0] =	vst v0  }
0x4c: {  	v0 =	vld.idx.msk [tilespmem:v56+s13+$0x0], $0xffff;
	_ =	sdelay $0x3  }
0x4d: {  	v58 =	vld [tilespmem:$0x50]  }
0x4e: {  	[tilespmem:$0x8140] =	vst v0  }
0x4f: {  	v0 =	vld.idx.msk [tilespmem:v57+s13+$0x0], $0xffff;
	_ =	sdelay $0x3  }
0x50: {  	v59 =	vld [tilespmem:$0xD0]  }
0x51: {  	[tilespmem:$0x81C0] =	vst v0  }
0x52: {  	v0 =	vld.idx.msk [tilespmem:v58+s13+$0x0], $0xffff;
	_ =	sdelay $0x3  }
0x53: {  	v60 =	vld [tilespmem:$0x60]  }
0x54: {  	[tilespmem:$0x8150] =	vst v0  }
0x55: {  	v0 =	vld.idx.msk [tilespmem:v59+s13+$0x0], $0xffff;
	_ =	sdelay $0x3  }
0x56: {  	v61 =	vld [tilespmem:$0xE0]  }
0x57: {  	[tilespmem:$0x81D0] =	vst v0  }
0x58: {  	v0 =	vld.idx.msk [tilespmem:v60+s13+$0x0], $0xffff;
	_ =	sdelay $0x3  }
0x59: {  	v62 =	vld [tilespmem:$0x70]  }
0x5a: {  	[tilespmem:$0x8160] =	vst v0  }
0x5b: {  	v0 =	vld.idx.msk [tilespmem:v61+s13+$0x0], $0xffff;
	_ =	sdelay $0x3  }
0x5c: {  	v63 =	vld [tilespmem:$0xF0]  }
0x5d: {  	[tilespmem:$0x81E0] =	vst v0  }
0x5e: {  	v0 =	vld.idx.msk [tilespmem:v62+s13+$0x0], $0xffff;
	_ =	sdelay $0x4  }
0x5f: {  	[tilespmem:$0x8170] =	vst v0  }
0x60: {  	v0 =	vld.idx.msk [tilespmem:v63+s13+$0x0], $0xffff;
	_ =	sdelay $0x4  }
0x61: {  	[tilespmem:$0x81F0] =	vst v0  }
0x62: {  	_ =	swait.ge [sflag:s19], $0x4000  }
0x63: {  	[sflag:s19] =	ssyncset.done $0x0  }
0x64: {  	[sflag:s19] =	ssyncadd.s32 $0xFFFFC000  }
0x65: {  	_ =	swait.ge [sflag:s19], $0x4000  }
0x66: {  	[sflag:s19] =	ssyncset.done $0x0  }
0x67: {  	[sflag:s19] =	ssyncadd.s32 $0xFFFFC000  }
0x68: {  	[hbm4b:s24+s4] =	stream.linear.scatter [tilespmem:s17], [sflag:$0x3], $0x4000, $0x38;
	[tilespmem:$0xA980] =	vst v63  }
0x69: {  	_ =	swait.ge [sflag:s15], $0x4000  }
0x6a: {  	[sflag:s15] =	ssyncset.done $0x0  }
0x6b: {  	[sflag:s15] =	ssyncadd.s32 $0xFFFFC000  }
0x6c: {  	[hbm4b:s25+s4] =	stream.linear.scatter [tilespmem:s18], [sflag:$0x3], $0x4000, $0x38;
	[tilespmem:$0xA980] =	vst v63  }
0x6d: {  	_ =	swait.ge [sflag:s15], $0x4000  }
0x6e: {  	[sflag:s15] =	ssyncset.done $0x0  }
0x6f: {  	s30 =	sadd.s32 s26, s8;
	[sflag:s15] =	ssyncadd.s32 $0xFFFFC000  }
0x70: {  	[hbm4b:s30+s4] =	stream.linear.scatter [tilespmem:s20], [sflag:$0x3], $0x80, $0x38;
	[tilespmem:$0xA980] =	vst v63  }
0x71: {  	_ =	swait.ge [sflag:s15], $0x80  }
0x72: {  	[sflag:s15] =	ssyncset.done $0x0  }
.Ltmp5:
0x73: {  	s31 =	sadd.s32 s26, s7;
	[sflag:s15] =	ssyncadd.s32 $0xFFFFFF80;
	(pc) =	sbr.rel .LBB2_4-.Ltmp5, $4  }
0x74: {  	[hbm4b:s31+s4] =	stream.linear.scatter [tilespmem:s21], [sflag:$0x2], $0x80, $0x38;
	[tilespmem:$0xA980] =	vst v63  }
0x75: {  	_ =	swait.ge [sflag:s14], $0x80  }
0x76: {  	[sflag:s14] =	ssyncset.done $0x0  }
0x77: {  	[sflag:s14] =	ssyncadd.s32 $0xFFFFFF80  }
.LBB2_6:
0x78: {  	_ =	sfence.sel $0x180000  }
0x79: {  	[bflag:$0x0] =	sbarrier.arrive $0xFFFF  }
0x7a: {  	p0 =	sne.s32 s3, $0x0;
	_ =	strace $0x90000047  }
0x7b: {  	s0 =	sadd.s32 @!p0 $0x100000, s1;
	[bflag:$0x2] =	sbarrier.arrive $0xFFFF  }
0x7c: {  	[sflag:s0] =	ssyncadd.tile.s32 @!p0 $0x1;
	_ =	shalt  }
.Lfunc_end2:
_tile_overlayer_lowered:
.L_overlay_start_2:
0x7d: {  	(tag) =	ssettag $0x2  }
0x7e: {  	s0 =	rddreg [dreg:$0x0];
	s2 =	stileid.u32  }
0x7f: {  	s1 =	rddreg [dreg:$0x1];
	p0 =	sne.s32 s2, $0x0  }
0x80: {  	s3 =	rddreg [dreg:$0x2];
	[bflag:$0x3] =	sbarrier.arrive $0xFFFF;
	s2 =	simm.s32 @!p0 $0x1C02  }
0x81: {  	[timem:s3], [sflag:s2] =	dma.local @!p0 [hbm:s0], s1  }
0x82: {  	s0 =	simm.s32 @!p0 $0x2  }
0x83: {  	_ =	swait.ge @!p0 [sflag:s0], s1  }
0x84: {  	s1 =	ssub.s32 @!p0 $0x0, s1;
	[sflag:s0] =	ssyncset.done @!p0 $0x0  }
0x85: {  	[sflag:s0] =	ssyncadd.s32 @!p0 s1  }
0x86: {  	[bflag:$0x3] =	sbarrier.arrive $0xFFFF  }
0x87: {  	_ =	shalt  }

</sc_bundles>
